<compile_context>
chip_gen: v7x
topology: tpu7x:2x2x1
jax: 0.10.2.dev20260603
libtpu: 0.0.44.dev20260713+nightly
codegen_flags: <defaults>
</compile_context>

<pallas_src>
import functools

import jax
import jax.numpy as jnp
from jax import lax
from jax.experimental import pallas as pl
from jax.experimental.pallas import tpu as pltpu
from jax.experimental.pallas import tpu_sc as plsc

_K = 8192
_D = 32
_N = 16384
_TN = 1024
_G = _N // _TN
_NB = 2
_BK = _K // _NB
_COMMIT = 0.25

_NW = 32
_BPW = _N // _NW



def _dist_body(x_ref, x2_ref, w2x_ref, w2_ref, idx_ref, loss_ref, loss_acc):
    i = pl.program_id(0)
    x = x_ref[...]
    xb = x.astype(jnp.bfloat16).astype(jnp.float32)
    mm2 = jax.lax.dot_general(xb, w2x_ref[...], (((1,), (1,)), ((), ())),
                              preferred_element_type=jnp.float32)
    dmat = (x2_ref[...] + w2_ref[...]) - mm2

    rv = None
    rj = None
    wv = None
    for b in range(_NB):
        dblk = dmat[:, b * _BK:(b + 1) * _BK]
        bm = jnp.min(dblk, axis=1, keepdims=True)
        ii = jax.lax.broadcasted_iota(jnp.int32, (_TN, _BK), 1)
        bi = jnp.min(jnp.where(dblk == bm, ii, _BK), axis=1,
                     keepdims=True) + b * _BK
        if b == 0:
            rv, rj, wv = bm.astype(jnp.bfloat16), bi, bm
        else:
            pred = bm < rv.astype(jnp.float32)
            rv = jnp.where(pred, bm.astype(jnp.bfloat16), rv)
            rj = jnp.where(pred, bi, rj)
            wv = jnp.where(pred, bm, wv)
    idx_ref[...] = rj

    @pl.when(i == 0)
    def _init():
        loss_acc[0] = 0.0

    loss_acc[0] += jnp.sum(wv)

    @pl.when(i == _G - 1)
    def _finalize():
        loss_ref[0] = (1.0 + _COMMIT) * loss_acc[0] / (_N * _D)



def _sc_gather_hist(idx_hbm, w_hbm, zeros_hbm, ones_hbm, q_hbm, counts_hbm,
                    idx_v, rows_v, ones_v, shared, sem):
    cid = lax.axis_index("c")
    sid = lax.axis_index("s")
    wid = sid * 2 + cid
    base = wid * _BPW
    pltpu.sync_copy(idx_hbm.at[pl.ds(base, _BPW)], idx_v)
    pltpu.async_copy(w_hbm.at[idx_v], rows_v, sem).wait()
    pltpu.sync_copy(rows_v, q_hbm.at[pl.ds(base, _BPW)])

    @pl.when(sid == 0)
    def _init():
        pltpu.sync_copy(zeros_hbm, shared)

    plsc.subcore_barrier()
    pltpu.sync_copy(ones_hbm.at[pl.ds(base, _BPW)], ones_v)
    pltpu.sync_copy(ones_v, shared.at[idx_v], add=True)
    plsc.subcore_barrier()

    @pl.when(sid == 0)
    def _flush():
        pltpu.sync_copy(shared, counts_hbm.at[cid])


_NSC = 2


def _sc_call(idx_flat, W, zeros, ones):
    mesh = plsc.VectorSubcoreMesh(core_axis_name="c", subcore_axis_name="s")
    kern = functools.partial(
        pl.kernel,
        out_type=[
            jax.ShapeDtypeStruct((_N, 128), jnp.float32),
            jax.ShapeDtypeStruct((_NSC, _K), jnp.float32),
        ],
        mesh=mesh,
        scratch_types=[
            pltpu.VMEM((_BPW,), jnp.int32),
            pltpu.VMEM((_BPW, 128), jnp.float32),
            pltpu.VMEM((_BPW,), jnp.float32),
            pltpu.VMEM_SHARED((_K,), jnp.float32),
            pltpu.SemaphoreType.DMA,
        ],
    )(_sc_gather_hist)
    return kern(idx_flat, W, zeros, ones)



_TE = 4096
_GE = _N // _TE


def _epi_body(x_ref, q_ref, cp_ref, qst_ref, perp_ref):
    i = pl.program_id(0)
    x = x_ref[...]
    q = q_ref[..., :_D]
    qst_ref[...] = x + (q - x)

    @pl.when(i == 0)
    def _entropy():
        counts = jnp.sum(cp_ref[...], axis=0, keepdims=True)
        p = counts * (1.0 / _N)
        ent = -jnp.sum(p * jnp.log(p + 1e-10))
        perp_ref[0] = jnp.exp(ent)


def kernel(latents, W):
    B, C, H, Wd = latents.shape
    lat_t = jnp.transpose(latents, (0, 2, 3, 1))
    flat = lat_t.reshape(-1, C)
    x2 = jnp.sum(flat ** 2, axis=1, keepdims=True)
    w2 = jnp.sum(W ** 2, axis=1).reshape(1, -1)
    w2x = 2.0 * W

    idx2, loss = pl.pallas_call(
        _dist_body,
        grid=(_G,),
        in_specs=[
            pl.BlockSpec((_TN, _D), lambda i: (i, 0)),
            pl.BlockSpec((_TN, 1), lambda i: (i, 0)),
            pl.BlockSpec((_K, _D), lambda i: (0, 0)),
            pl.BlockSpec((1, _K), lambda i: (0, 0)),
        ],
        out_specs=[
            pl.BlockSpec((_TN, 1), lambda i: (i, 0)),
            pl.BlockSpec(memory_space=pltpu.SMEM),
        ],
        out_shape=[
            jax.ShapeDtypeStruct((_N, 1), jnp.int32),
            jax.ShapeDtypeStruct((1,), jnp.float32),
        ],
        scratch_shapes=[
            pltpu.SMEM((1,), jnp.float32),
        ],
    )(flat, x2, w2x, w2)

    zeros = jnp.zeros((_K,), jnp.float32)
    ones = jnp.ones((_N,), jnp.float32)
    w_pad = jnp.pad(W, ((0, 0), (0, 128 - _D)))
    q_pad, counts_p = _sc_call(idx2.reshape(-1), w_pad, zeros, ones)

    qst, perp = pl.pallas_call(
        _epi_body,
        grid=(_GE,),
        in_specs=[
            pl.BlockSpec((_TE, _D), lambda i: (i, 0)),
            pl.BlockSpec((_TE, 128), lambda i: (i, 0)),
            pl.BlockSpec((_NSC, _K), lambda i: (0, 0)),
        ],
        out_specs=[
            pl.BlockSpec((_TE, _D), lambda i: (i, 0)),
            pl.BlockSpec(memory_space=pltpu.SMEM),
        ],
        out_shape=[
            jax.ShapeDtypeStruct((_N, _D), jnp.float32),
            jax.ShapeDtypeStruct((1,), jnp.float32),
        ],
    )(flat, q_pad, counts_p)

    vq_loss = loss[0]
    perplexity = perp[0]
    idx_out = idx2.reshape(B, H, Wd)
    quantized_out = jnp.transpose(qst.reshape(B, H, Wd, C), (0, 3, 1, 2))
    return vq_loss, quantized_out, perplexity, idx_out

# --- scband reference (transcript-rebuilt; emitter-appended) ---
"""Pipeline reference for scband-vector-quantizer-29626684408051 (READ-ONLY COPY).

The authoritative reference and input builder live on the scoring server;
editing this copy changes nothing except your own understanding.
"""

import jax, jax.numpy as jnp
import numpy as np

NUM_EMBEDDINGS = 8192
EMBEDDING_DIM = 32
COMMITMENT_COST = 0.25


def setup_inputs(seed: int = 0) -> dict:
    key = jax.random.key(seed)
    k1, k2 = jax.random.split(key)
    latents = jax.random.normal(k1, (16, 32, 32, 32), dtype=jnp.float32)
    # Embedding table initialized uniform(-1/K, 1/K) like the torch module
    W = jax.random.uniform(k2, (NUM_EMBEDDINGS, EMBEDDING_DIM), dtype=jnp.float32,
                           minval=-1.0 / NUM_EMBEDDINGS, maxval=1.0 / NUM_EMBEDDINGS)
    return {"latents": latents, "W": W}


def reference(latents, W):
    B, C, H, Wd = latents.shape
    # permute(0,2,3,1)
    lat = jnp.transpose(latents, (0, 2, 3, 1))
    flat = lat.reshape(-1, C)
    # squared L2 distances to every codebook entry
    distances = (jnp.sum(flat ** 2, axis=1, keepdims=True)
                 + jnp.sum(W ** 2, axis=1)
                 - 2.0 * jnp.matmul(flat, W.T))
    encoding_indices = jnp.argmin(distances, axis=1)
    quantized_flat = jnp.take(W, encoding_indices, axis=0)
    quantized = quantized_flat.reshape(lat.shape)
    e_loss = jnp.mean((jax.lax.stop_gradient(quantized) - lat) ** 2)
    q_loss = jnp.mean((quantized - jax.lax.stop_gradient(lat)) ** 2)
    vq_loss = q_loss + COMMITMENT_COST * e_loss
    # straight-through estimator
    quantized_st = lat + jax.lax.stop_gradient(quantized - lat)
    quantized_out = jnp.transpose(quantized_st, (0, 3, 1, 2))
    # perplexity via codebook usage histogram (equivalent to one-hot mean)
    counts = jnp.bincount(encoding_indices, length=NUM_EMBEDDINGS)
    avg_probs = counts.astype(jnp.float32) / encoding_indices.shape[0]
    perplexity = jnp.exp(-jnp.sum(avg_probs * jnp.log(avg_probs + 1e-10)))
    idx_out = encoding_indices.reshape(B, H, Wd)
    return vq_loss, quantized_out, perplexity, idx_out

if __name__ == "__main__":
    import jax
    _d = setup_inputs()
    print(jax.jit(kernel)(*tuple(_d.values())))

</pallas_src>

<mosaic_0001>
#map = affine_map<(d0, d1) -> (0)>
#map1 = affine_map<(d0, d1) -> (0, 0)>
module attributes {stable_mosaic.version = 14 : i64} {
  func.func @_sc_gather_hist(%arg0: i32, %arg1: i32, %arg2: memref<16384xi32, #tpu.memory_space<hbm>>, %arg3: memref<8192x128xf32, #tpu.memory_space<hbm>>, %arg4: memref<8192xf32, #tpu.memory_space<hbm>>, %arg5: memref<16384xf32, #tpu.memory_space<hbm>>, %arg6: memref<16384x128xf32, #tpu.memory_space<hbm>>, %arg7: memref<2x8192xf32, #tpu.memory_space<hbm>>, %arg8: memref<512xi32, #tpu.memory_space<vmem>>, %arg9: memref<512x128xf32, #tpu.memory_space<vmem>>, %arg10: memref<512xf32, #tpu.memory_space<vmem>>, %arg11: memref<8192xf32, #tpu.memory_space<vmem_shared>>, %arg12: memref<!tpu.dma_semaphore, #tpu.memory_space<semaphore_mem>>) attributes {dimension_semantics = [#tpu.dimension_semantics<core_parallel>, #tpu.dimension_semantics<subcore_parallel>], iteration_bounds = array<i64: 2, 16>, scalar_prefetch = 0 : i64, scratch_operands = 5 : i64, tpu.core_type = #tpu.core_type<sc_vector_subcore>, window_params = [{transform_indices = #map}, {transform_indices = #map1}, {transform_indices = #map}, {transform_indices = #map}, {transform_indices = #map1}, {transform_indices = #map1}]} {
    %mul3A = arith.constant 2 : i32
    %mul3A_0 = arith.muli %arg1, %mul3A : i32
    %add3A = arith.addi %mul3A_0, %arg0 : i32
    %mul3A_1 = arith.constant 512 : i32
    %mul3A_2 = arith.muli %add3A, %mul3A_1 : i32
    "tpu.region"() ({
      %run_scoped3A = tpu.sem_alloc : memref<!tpu.dma_semaphore, #tpu.memory_space<semaphore_mem>>
      %dma_start3A_15 = tpu.memref_slice %arg2[%mul3A_2] : memref<16384xi32, #tpu.memory_space<hbm>> -> memref<512xi32, #tpu.memory_space<hbm>>
      %dma_start3A_16 = tpu.memref_slice %arg2[%mul3A_2] : memref<16384xi32, #tpu.memory_space<hbm>> -> memref<512xi32, #tpu.memory_space<hbm>>
      tpu.enqueue_dma source(%dma_start3A_16 : memref<512xi32, #tpu.memory_space<hbm>>) target(%arg8 : memref<512xi32, #tpu.memory_space<vmem>>) target_semaphore(%run_scoped3A : memref<!tpu.dma_semaphore, #tpu.memory_space<semaphore_mem>>)
      %dma_wait3A_17 = tpu.memref_slice %arg2[%mul3A_2] : memref<16384xi32, #tpu.memory_space<hbm>> -> memref<512xi32, #tpu.memory_space<hbm>>
      %dma_wait3A_18 = tpu.memref_slice %arg2[%mul3A_2] : memref<16384xi32, #tpu.memory_space<hbm>> -> memref<512xi32, #tpu.memory_space<hbm>>
      tpu.wait_dma2 semaphore(%run_scoped3A : memref<!tpu.dma_semaphore, #tpu.memory_space<semaphore_mem>>) src(%dma_wait3A_18 : memref<512xi32, #tpu.memory_space<hbm>>) dst(%arg8 : memref<512xi32, #tpu.memory_space<vmem>>)
      tpu.yield
    }) : () -> ()
    %dma_start3A = arith.constant 0 : i32
    %dma_start3A_3 = arith.constant 0 : i32
    %dma_start3A_4 = tpu.memref_slice %arg3[%dma_start3A, %dma_start3A_3] : memref<8192x128xf32, #tpu.memory_space<hbm>> -> memref<8192x128xf32, #tpu.memory_space<hbm>>
    tpu.enqueue_indirect_dma source(%dma_start3A_4 : memref<8192x128xf32, #tpu.memory_space<hbm>>) target(%arg9 : memref<512x128xf32, #tpu.memory_space<vmem>>) offsets(%arg8 : memref<512xi32, #tpu.memory_space<vmem>>) semaphore(%arg12 : memref<!tpu.dma_semaphore, #tpu.memory_space<semaphore_mem>>)
    %dma_wait3A = arith.constant 0 : i32
    %dma_wait3A_5 = arith.constant 0 : i32
    %dma_wait3A_6 = tpu.memref_slice %arg3[%dma_wait3A, %dma_wait3A_5] : memref<8192x128xf32, #tpu.memory_space<hbm>> -> memref<8192x128xf32, #tpu.memory_space<hbm>>
    tpu.wait_indirect_dma semaphore(%arg12 : memref<!tpu.dma_semaphore, #tpu.memory_space<semaphore_mem>>) src(%dma_wait3A_6 : memref<8192x128xf32, #tpu.memory_space<hbm>>) dst(%arg9 : memref<512x128xf32, #tpu.memory_space<vmem>>)
    "tpu.region"() ({
      %run_scoped3A = tpu.sem_alloc : memref<!tpu.dma_semaphore, #tpu.memory_space<semaphore_mem>>
      %dma_start3A_15 = arith.constant 0 : i32
      %dma_start3A_16 = tpu.memref_slice %arg6[%mul3A_2, %dma_start3A_15] : memref<16384x128xf32, #tpu.memory_space<hbm>> -> memref<512x128xf32, #tpu.memory_space<hbm>>
      %dma_start3A_17 = arith.constant 0 : i32
      %dma_start3A_18 = tpu.memref_slice %arg6[%mul3A_2, %dma_start3A_17] : memref<16384x128xf32, #tpu.memory_space<hbm>> -> memref<512x128xf32, #tpu.memory_space<hbm>>
      tpu.enqueue_dma source(%arg9 : memref<512x128xf32, #tpu.memory_space<vmem>>) target(%dma_start3A_18 : memref<512x128xf32, #tpu.memory_space<hbm>>) target_semaphore(%run_scoped3A : memref<!tpu.dma_semaphore, #tpu.memory_space<semaphore_mem>>)
      %dma_wait3A_19 = arith.constant 0 : i32
      %dma_wait3A_20 = tpu.memref_slice %arg6[%mul3A_2, %dma_wait3A_19] : memref<16384x128xf32, #tpu.memory_space<hbm>> -> memref<512x128xf32, #tpu.memory_space<hbm>>
      %dma_wait3A_21 = arith.constant 0 : i32
      %dma_wait3A_22 = tpu.memref_slice %arg6[%mul3A_2, %dma_wait3A_21] : memref<16384x128xf32, #tpu.memory_space<hbm>> -> memref<512x128xf32, #tpu.memory_space<hbm>>
      tpu.wait_dma2 semaphore(%run_scoped3A : memref<!tpu.dma_semaphore, #tpu.memory_space<semaphore_mem>>) src(%arg9 : memref<512x128xf32, #tpu.memory_space<vmem>>) dst(%dma_wait3A_22 : memref<512x128xf32, #tpu.memory_space<hbm>>)
      tpu.yield
    }) : () -> ()
    %eq3A = arith.constant 0 : i32
    %eq3A_7 = arith.cmpi eq, %arg1, %eq3A : i32
    %convert_element_type3A = arith.extui %eq3A_7 : i1 to i32
    %cond3A = arith.constant 0 : i32
    %cond3A_8 = arith.cmpi ne, %convert_element_type3A, %cond3A : i32
    scf.if %cond3A_8 {
      "tpu.region"() ({
        %run_scoped3A = tpu.sem_alloc : memref<!tpu.dma_semaphore, #tpu.memory_space<semaphore_mem>>
        tpu.enqueue_dma source(%arg4 : memref<8192xf32, #tpu.memory_space<hbm>>) target(%arg11 : memref<8192xf32, #tpu.memory_space<vmem_shared>>) target_semaphore(%run_scoped3A : memref<!tpu.dma_semaphore, #tpu.memory_space<semaphore_mem>>)
        tpu.wait_dma2 semaphore(%run_scoped3A : memref<!tpu.dma_semaphore, #tpu.memory_space<semaphore_mem>>) src(%arg4 : memref<8192xf32, #tpu.memory_space<hbm>>) dst(%arg11 : memref<8192xf32, #tpu.memory_space<vmem_shared>>)
        tpu.yield
      }) : () -> ()
    } else {
    }
    %barrier3A = arith.constant 0 : index
    tpu.barrier barrier_id(%barrier3A)
    "tpu.region"() ({
      %run_scoped3A = tpu.sem_alloc : memref<!tpu.dma_semaphore, #tpu.memory_space<semaphore_mem>>
      %dma_start3A_15 = tpu.memref_slice %arg5[%mul3A_2] : memref<16384xf32, #tpu.memory_space<hbm>> -> memref<512xf32, #tpu.memory_space<hbm>>
      %dma_start3A_16 = tpu.memref_slice %arg5[%mul3A_2] : memref<16384xf32, #tpu.memory_space<hbm>> -> memref<512xf32, #tpu.memory_space<hbm>>
      tpu.enqueue_dma source(%dma_start3A_16 : memref<512xf32, #tpu.memory_space<hbm>>) target(%arg10 : memref<512xf32, #tpu.memory_space<vmem>>) target_semaphore(%run_scoped3A : memref<!tpu.dma_semaphore, #tpu.memory_space<semaphore_mem>>)
      %dma_wait3A_17 = tpu.memref_slice %arg5[%mul3A_2] : memref<16384xf32, #tpu.memory_space<hbm>> -> memref<512xf32, #tpu.memory_space<hbm>>
      %dma_wait3A_18 = tpu.memref_slice %arg5[%mul3A_2] : memref<16384xf32, #tpu.memory_space<hbm>> -> memref<512xf32, #tpu.memory_space<hbm>>
      tpu.wait_dma2 semaphore(%run_scoped3A : memref<!tpu.dma_semaphore, #tpu.memory_space<semaphore_mem>>) src(%dma_wait3A_18 : memref<512xf32, #tpu.memory_space<hbm>>) dst(%arg10 : memref<512xf32, #tpu.memory_space<vmem>>)
      tpu.yield
    }) : () -> ()
    "tpu.region"() ({
      %run_scoped3A = tpu.sem_alloc : memref<!tpu.dma_semaphore, #tpu.memory_space<semaphore_mem>>
      %dma_start3A_15 = arith.constant 0 : i32
      %dma_start3A_16 = tpu.memref_slice %arg11[%dma_start3A_15] : memref<8192xf32, #tpu.memory_space<vmem_shared>> -> memref<8192xf32, #tpu.memory_space<vmem_shared>>
      tpu.enqueue_indirect_dma source(%arg10 : memref<512xf32, #tpu.memory_space<vmem>>) target(%dma_start3A_16 : memref<8192xf32, #tpu.memory_space<vmem_shared>>) offsets(%arg8 : memref<512xi32, #tpu.memory_space<vmem>>) semaphore(%run_scoped3A : memref<!tpu.dma_semaphore, #tpu.memory_space<semaphore_mem>>) {add = true}
      %dma_wait3A_17 = arith.constant 0 : i32
      %dma_wait3A_18 = tpu.memref_slice %arg11[%dma_wait3A_17] : memref<8192xf32, #tpu.memory_space<vmem_shared>> -> memref<8192xf32, #tpu.memory_space<vmem_shared>>
      tpu.wait_indirect_dma semaphore(%run_scoped3A : memref<!tpu.dma_semaphore, #tpu.memory_space<semaphore_mem>>) src(%arg10 : memref<512xf32, #tpu.memory_space<vmem>>) dst(%dma_wait3A_18 : memref<8192xf32, #tpu.memory_space<vmem_shared>>)
      tpu.yield
    }) : () -> ()
    %barrier3A_9 = arith.constant 0 : index
    tpu.barrier barrier_id(%barrier3A_9)
    %eq3A_10 = arith.constant 0 : i32
    %eq3A_11 = arith.cmpi eq, %arg1, %eq3A_10 : i32
    %convert_element_type3A_12 = arith.extui %eq3A_11 : i1 to i32
    %cond3A_13 = arith.constant 0 : i32
    %cond3A_14 = arith.cmpi ne, %convert_element_type3A_12, %cond3A_13 : i32
    scf.if %cond3A_14 {
      "tpu.region"() ({
        %run_scoped3A = tpu.sem_alloc : memref<!tpu.dma_semaphore, #tpu.memory_space<semaphore_mem>>
        %dma_start3A_15 = arith.constant 0 : i32
        %dma_start3A_16 = tpu.memref_slice %arg7[%arg0, %dma_start3A_15] : memref<2x8192xf32, #tpu.memory_space<hbm>> -> memref<1x8192xf32, #tpu.memory_space<hbm>>
        %dma_start3A_17 = tpu.memref_squeeze %dma_start3A_16 : memref<1x8192xf32, #tpu.memory_space<hbm>> -> memref<8192xf32, #tpu.memory_space<hbm>>
        tpu.enqueue_dma source(%arg11 : memref<8192xf32, #tpu.memory_space<vmem_shared>>) target(%dma_start3A_17 : memref<8192xf32, #tpu.memory_space<hbm>>) target_semaphore(%run_scoped3A : memref<!tpu.dma_semaphore, #tpu.memory_space<semaphore_mem>>)
        %dma_wait3A_18 = arith.constant 0 : i32
        %dma_wait3A_19 = tpu.memref_slice %arg7[%arg0, %dma_wait3A_18] : memref<2x8192xf32, #tpu.memory_space<hbm>> -> memref<1x8192xf32, #tpu.memory_space<hbm>>
        %dma_wait3A_20 = tpu.memref_squeeze %dma_wait3A_19 : memref<1x8192xf32, #tpu.memory_space<hbm>> -> memref<8192xf32, #tpu.memory_space<hbm>>
        tpu.wait_dma2 semaphore(%run_scoped3A : memref<!tpu.dma_semaphore, #tpu.memory_space<semaphore_mem>>) src(%arg11 : memref<8192xf32, #tpu.memory_space<vmem_shared>>) dst(%dma_wait3A_20 : memref<8192xf32, #tpu.memory_space<hbm>>)
        tpu.yield
      }) : () -> ()
    } else {
    }
    return
  }
}

module attributes {stable_mosaic.version = 14 : i64} {
  func.func @_dist_body(%arg0: i32, %arg1: memref<1024x32xf32, #tpu.memory_space<vmem>>, %arg2: memref<1024x1xf32, #tpu.memory_space<vmem>>, %arg3: memref<8192x32xf32, #tpu.memory_space<vmem>>, %arg4: memref<1x8192xf32, #tpu.memory_space<vmem>>, %arg5: memref<1024x1xi32, #tpu.memory_space<vmem>>, %arg6: memref<1xf32, #tpu.memory_space<smem>>, %arg7: memref<1xf32, #tpu.memory_space<smem>>) attributes {dimension_semantics = [#tpu.dimension_semantics<arbitrary>], iteration_bounds = array<i64: 16>, scalar_prefetch = 0 : i64, scratch_operands = 1 : i64, tpu.core_type = #tpu.core_type<tc>, window_params = [{transform_indices = @transform_0, window_bounds = array<i64: 1024, 32>}, {transform_indices = @transform_1, window_bounds = array<i64: 1024, 1>}, {pipeline_mode = #tpu.pipeline_mode<synchronous>, transform_indices = @transform_2, window_bounds = array<i64: 8192, 32>}, {pipeline_mode = #tpu.pipeline_mode<synchronous>, transform_indices = @transform_3, window_bounds = array<i64: 1, 8192>}, {transform_indices = @transform_4, window_bounds = array<i64: 1024, 1>}, {transform_indices = @transform_5, window_bounds = array<i64: 1>}]} {
    %get3A = arith.constant 0 : index
    %get3A_0 = arith.constant 0 : index
    %get3A_1 = vector.load %arg1[%get3A, %get3A_0] : memref<1024x32xf32, #tpu.memory_space<vmem>>, vector<1024x32xf32>
    %convert_element_type3A = arith.truncf %get3A_1 : vector<1024x32xf32> to vector<1024x32xbf16>
    %convert_element_type3A_2 = arith.extf %convert_element_type3A : vector<1024x32xbf16> to vector<1024x32xf32>
    %get3A_3 = arith.constant 0 : index
    %get3A_4 = arith.constant 0 : index
    %get3A_5 = vector.load %arg3[%get3A_3, %get3A_4] : memref<8192x32xf32, #tpu.memory_space<vmem>>, vector<8192x32xf32>
    %dot_general3A = arith.constant dense<0.000000e+00> : vector<1024x8192xf32>
    %dot_general3A_6 = tpu.matmul %convert_element_type3A_2, %get3A_5, %dot_general3A {dimension_numbers = #tpu.dot_dimension_numbers<[1], [1], [0], [0], [0, 0, 1, 0], [], []>, transpose_lhs_hint = false} : vector<1024x32xf32>, vector<8192x32xf32>, vector<1024x8192xf32> -> vector<1024x8192xf32>
    %get3A_7 = arith.constant 0 : index
    %get3A_8 = arith.constant 0 : index
    %get3A_9 = vector.load %arg2[%get3A_7, %get3A_8] : memref<1024x1xf32, #tpu.memory_space<vmem>>, vector<1024x1xf32>
    %get3A_10 = arith.constant 0 : index
    %get3A_11 = arith.constant 0 : index
    %get3A_12 = vector.load %arg4[%get3A_10, %get3A_11] : memref<1x8192xf32, #tpu.memory_space<vmem>>, vector<1x8192xf32>
    %add3A = vector.broadcast %get3A_9 : vector<1024x1xf32> to vector<1024x8192xf32>
    %add3A_13 = vector.broadcast %get3A_12 : vector<1x8192xf32> to vector<1024x8192xf32>
    %add3A_14 = arith.addf %add3A, %add3A_13 : vector<1024x8192xf32>
    %sub3A = arith.subf %add3A_14, %dot_general3A_6 : vector<1024x8192xf32>
    %slice3A = vector.extract_strided_slice %sub3A {offsets = [0, 0], sizes = [1024, 4096], strides = [1, 1]} : vector<1024x8192xf32> to vector<1024x4096xf32>
    %reduce_min3A = arith.constant dense<0x7F800000> : vector<1024xf32>
    %reduce_min3A_15 = vector.multi_reduction <minimumf>, %slice3A, %reduce_min3A [1] : vector<1024x4096xf32> to vector<1024xf32>
    %broadcast_in_dim3A = vector.shape_cast %reduce_min3A_15 : vector<1024xf32> to vector<1024x1xf32>
    %iota3A = tpu.iota {dimensions = array<i32: 1>} : vector<1024x4096xi32>
    %eq3A = vector.broadcast %broadcast_in_dim3A : vector<1024x1xf32> to vector<1024x4096xf32>
    %eq3A_16 = arith.cmpf oeq, %slice3A, %eq3A : vector<1024x4096xf32>
    %jit3A = arith.constant 4096 : i32
    %broadcast_in_dim3A_17 = vector.broadcast %jit3A : i32 to vector<1024x4096xi32>
    %select_n3A = arith.select %eq3A_16, %iota3A, %broadcast_in_dim3A_17 : vector<1024x4096xi1>, vector<1024x4096xi32>
    %reduce_min3A_18 = arith.constant dense<2147483647> : vector<1024xi32>
    %reduce_min3A_19 = vector.multi_reduction <minsi>, %select_n3A, %reduce_min3A_18 [1] : vector<1024x4096xi32> to vector<1024xi32>
    %broadcast_in_dim3A_20 = vector.shape_cast %reduce_min3A_19 : vector<1024xi32> to vector<1024x1xi32>
    %add3A_21 = arith.constant 0 : i32
    %add3A_22 = vector.broadcast %add3A_21 : i32 to vector<1024x1xi32>
    %add3A_23 = arith.addi %broadcast_in_dim3A_20, %add3A_22 : vector<1024x1xi32>
    %convert_element_type3A_24 = arith.truncf %broadcast_in_dim3A : vector<1024x1xf32> to vector<1024x1xbf16>
    %slice3A_25 = vector.extract_strided_slice %sub3A {offsets = [0, 4096], sizes = [1024, 4096], strides = [1, 1]} : vector<1024x8192xf32> to vector<1024x4096xf32>
    %reduce_min3A_26 = arith.constant dense<0x7F800000> : vector<1024xf32>
    %reduce_min3A_27 = vector.multi_reduction <minimumf>, %slice3A_25, %reduce_min3A_26 [1] : vector<1024x4096xf32> to vector<1024xf32>
    %broadcast_in_dim3A_28 = vector.shape_cast %reduce_min3A_27 : vector<1024xf32> to vector<1024x1xf32>
    %iota3A_29 = tpu.iota {dimensions = array<i32: 1>} : vector<1024x4096xi32>
    %eq3A_30 = vector.broadcast %broadcast_in_dim3A_28 : vector<1024x1xf32> to vector<1024x4096xf32>
    %eq3A_31 = arith.cmpf oeq, %slice3A_25, %eq3A_30 : vector<1024x4096xf32>
    %jit3A_32 = arith.constant 4096 : i32
    %broadcast_in_dim3A_33 = vector.broadcast %jit3A_32 : i32 to vector<1024x4096xi32>
    %select_n3A_34 = arith.select %eq3A_31, %iota3A_29, %broadcast_in_dim3A_33 : vector<1024x4096xi1>, vector<1024x4096xi32>
    %reduce_min3A_35 = arith.constant dense<2147483647> : vector<1024xi32>
    %reduce_min3A_36 = vector.multi_reduction <minsi>, %select_n3A_34, %reduce_min3A_35 [1] : vector<1024x4096xi32> to vector<1024xi32>
    %broadcast_in_dim3A_37 = vector.shape_cast %reduce_min3A_36 : vector<1024xi32> to vector<1024x1xi32>
    %add3A_38 = arith.constant 4096 : i32
    %add3A_39 = vector.broadcast %add3A_38 : i32 to vector<1024x1xi32>
    %add3A_40 = arith.addi %broadcast_in_dim3A_37, %add3A_39 : vector<1024x1xi32>
    %convert_element_type3A_41 = arith.extf %convert_element_type3A_24 : vector<1024x1xbf16> to vector<1024x1xf32>
    %lt3A = arith.cmpf olt, %broadcast_in_dim3A_28, %convert_element_type3A_41 : vector<1024x1xf32>
    %select_n3A_42 = arith.select %lt3A, %add3A_40, %add3A_23 : vector<1024x1xi1>, vector<1024x1xi32>
    %select_n3A_43 = arith.select %lt3A, %broadcast_in_dim3A_28, %broadcast_in_dim3A : vector<1024x1xi1>, vector<1024x1xf32>
    %swap3A = arith.constant 0 : index
    %swap3A_44 = arith.constant 0 : index
    %swap3A_45 = vector.load %arg5[%swap3A, %swap3A_44] : memref<1024x1xi32, #tpu.memory_space<vmem>>, vector<1024x1xi32>
    tpu.vector_store %arg5[%swap3A, %swap3A_44], %select_n3A_42 {strides = array<i32>} : memref<1024x1xi32, #tpu.memory_space<vmem>>, vector<1024x1xi32>,
    %eq3A_46 = arith.constant 0 : i32
    %eq3A_47 = arith.cmpi eq, %arg0, %eq3A_46 : i32
    %convert_element_type3A_48 = arith.extui %eq3A_47 : i1 to i32
    %cond3A = arith.constant 0 : i32
    %cond3A_49 = arith.cmpi ne, %convert_element_type3A_48, %cond3A : i32
    scf.if %cond3A_49 {
      %swap3A_64 = arith.constant 0.000000e+00 : f32
      %swap3A_65 = arith.constant 0 : index
      %swap3A_66 = memref.load %arg7[%swap3A_65] : memref<1xf32, #tpu.memory_space<smem>>
      memref.store %swap3A_64, %arg7[%swap3A_65] : memref<1xf32, #tpu.memory_space<smem>>
    } else {
    }
    %get3A_50 = arith.constant 0 : index
    %get3A_51 = memref.load %arg7[%get3A_50] : memref<1xf32, #tpu.memory_space<smem>>
    %reduce_sum3A = vector.shape_cast %select_n3A_43 : vector<1024x1xf32> to vector<1x1024x1xf32>
    %reduce_sum3A_52 = arith.constant dense<0.000000e+00> : vector<1xf32>
    %reduce_sum3A_53 = vector.multi_reduction <add>, %reduce_sum3A, %reduce_sum3A_52 [1, 2] : vector<1x1024x1xf32> to vector<1xf32>
    %reduce_sum3A_54 = vector.shape_cast %reduce_sum3A_53 : vector<1xf32> to vector<1x1x1xf32>
    %reduce_sum3A_55 = vector.extract %reduce_sum3A_54[0, 0, 0] : f32 from vector<1x1x1xf32>
    %add3A_56 = arith.addf %get3A_51, %reduce_sum3A_55 : f32
    %swap3A_57 = arith.constant 0 : index
    %swap3A_58 = memref.load %arg7[%swap3A_57] : memref<1xf32, #tpu.memory_space<smem>>
    memref.store %add3A_56, %arg7[%swap3A_57] : memref<1xf32, #tpu.memory_space<smem>>
    %eq3A_59 = arith.constant 15 : i32
    %eq3A_60 = arith.cmpi eq, %arg0, %eq3A_59 : i32
    %convert_element_type3A_61 = arith.extui %eq3A_60 : i1 to i32
    %cond3A_62 = arith.constant 0 : i32
    %cond3A_63 = arith.cmpi ne, %convert_element_type3A_61, %cond3A_62 : i32
    scf.if %cond3A_63 {
      %get3A_64 = arith.constant 0 : index
      %get3A_65 = memref.load %arg7[%get3A_64] : memref<1xf32, #tpu.memory_space<smem>>
      %mul3A = arith.constant 1.250000e+00 : f32
      %mul3A_66 = arith.mulf %mul3A, %get3A_65 : f32
      %div3A = arith.constant 5.242880e+05 : f32
      %div3A_67 = arith.divf %mul3A_66, %div3A : f32
      %swap3A_68 = arith.constant 0 : index
      %swap3A_69 = memref.load %arg6[%swap3A_68] : memref<1xf32, #tpu.memory_space<smem>>
      memref.store %div3A_67, %arg6[%swap3A_68] : memref<1xf32, #tpu.memory_space<smem>>
    } else {
    }
    return
  }
  func.func @transform_0(%arg0: i32) -> (i32, i32) {
    %c0_i32 = arith.constant 0 : i32
    %c0_i32_0 = arith.constant 0 : i32
    return %arg0, %c0_i32 : i32, i32
  }
  func.func @transform_1(%arg0: i32) -> (i32, i32) {
    %c0_i32 = arith.constant 0 : i32
    %c0_i32_0 = arith.constant 0 : i32
    return %arg0, %c0_i32 : i32, i32
  }
  func.func @transform_2(%arg0: i32) -> (i32, i32) {
    %c0_i32 = arith.constant 0 : i32
    %c0_i32_0 = arith.constant 0 : i32
    %c0_i32_1 = arith.constant 0 : i32
    return %c0_i32, %c0_i32_0 : i32, i32
  }
  func.func @transform_3(%arg0: i32) -> (i32, i32) {
    %c0_i32 = arith.constant 0 : i32
    %c0_i32_0 = arith.constant 0 : i32
    %c0_i32_1 = arith.constant 0 : i32
    return %c0_i32, %c0_i32_0 : i32, i32
  }
  func.func @transform_4(%arg0: i32) -> (i32, i32) {
    %c0_i32 = arith.constant 0 : i32
    %c0_i32_0 = arith.constant 0 : i32
    return %arg0, %c0_i32 : i32, i32
  }
  func.func @transform_5(%arg0: i32) -> i32 {
    %c0_i32 = arith.constant 0 : i32
    %c0_i32_0 = arith.constant 0 : i32
    return %c0_i32 : i32
  }
}

module attributes {stable_mosaic.version = 14 : i64} {
  func.func @_epi_body(%arg0: i32, %arg1: memref<4096x32xf32, #tpu.memory_space<vmem>>, %arg2: memref<4096x128xf32, #tpu.memory_space<vmem>>, %arg3: memref<2x8192xf32, #tpu.memory_space<vmem>>, %arg4: memref<4096x32xf32, #tpu.memory_space<vmem>>, %arg5: memref<1xf32, #tpu.memory_space<smem>>) attributes {dimension_semantics = [#tpu.dimension_semantics<arbitrary>], iteration_bounds = array<i64: 4>, scalar_prefetch = 0 : i64, scratch_operands = 0 : i64, tpu.core_type = #tpu.core_type<tc>, window_params = [{transform_indices = @transform_0, window_bounds = array<i64: 4096, 32>}, {transform_indices = @transform_1, window_bounds = array<i64: 4096, 128>}, {pipeline_mode = #tpu.pipeline_mode<synchronous>, transform_indices = @transform_2, window_bounds = array<i64: 2, 8192>}, {transform_indices = @transform_3, window_bounds = array<i64: 4096, 32>}, {transform_indices = @transform_4, window_bounds = array<i64: 1>}]} {
    %get3A = arith.constant 0 : index
    %get3A_0 = arith.constant 0 : index
    %get3A_1 = vector.load %arg1[%get3A, %get3A_0] : memref<4096x32xf32, #tpu.memory_space<vmem>>, vector<4096x32xf32>
    %get3A_2 = arith.constant 0 : index
    %get3A_3 = arith.constant 0 : index
    %get3A_4 = vector.load %arg2[%get3A_2, %get3A_3] : memref<4096x128xf32, #tpu.memory_space<vmem>>, vector<4096x32xf32>
    %sub3A = arith.subf %get3A_4, %get3A_1 : vector<4096x32xf32>
    %add3A = arith.addf %get3A_1, %sub3A : vector<4096x32xf32>
    %swap3A = arith.constant 0 : index
    %swap3A_5 = arith.constant 0 : index
    %swap3A_6 = vector.load %arg4[%swap3A, %swap3A_5] : memref<4096x32xf32, #tpu.memory_space<vmem>>, vector<4096x32xf32>
    tpu.vector_store %arg4[%swap3A, %swap3A_5], %add3A {strides = array<i32>} : memref<4096x32xf32, #tpu.memory_space<vmem>>, vector<4096x32xf32>,
    %eq3A = arith.constant 0 : i32
    %eq3A_7 = arith.cmpi eq, %arg0, %eq3A : i32
    %convert_element_type3A = arith.extui %eq3A_7 : i1 to i32
    %cond3A = arith.constant 0 : i32
    %cond3A_8 = arith.cmpi ne, %convert_element_type3A, %cond3A : i32
    scf.if %cond3A_8 {
      %get3A_9 = arith.constant 0 : index
      %get3A_10 = arith.constant 0 : index
      %get3A_11 = vector.load %arg3[%get3A_9, %get3A_10] : memref<2x8192xf32, #tpu.memory_space<vmem>>, vector<2x8192xf32>
      %reduce_sum3A = arith.constant dense<0.000000e+00> : vector<8192xf32>
      %reduce_sum3A_12 = vector.multi_reduction <add>, %get3A_11, %reduce_sum3A [0] : vector<2x8192xf32> to vector<8192xf32>
      %broadcast_in_dim3A = vector.shape_cast %reduce_sum3A_12 : vector<8192xf32> to vector<1x8192xf32>
      %mul3A = arith.constant 6.10351563E-5 : f32
      %mul3A_13 = vector.broadcast %mul3A : f32 to vector<1x8192xf32>
      %mul3A_14 = arith.mulf %broadcast_in_dim3A, %mul3A_13 : vector<1x8192xf32>
      %add3A_15 = arith.constant 1.000000e-10 : f32
      %add3A_16 = vector.broadcast %add3A_15 : f32 to vector<1x8192xf32>
      %add3A_17 = arith.addf %mul3A_14, %add3A_16 : vector<1x8192xf32>
      %log3A = math.log %add3A_17 : vector<1x8192xf32>
      %mul3A_18 = arith.mulf %mul3A_14, %log3A : vector<1x8192xf32>
      %reduce_sum3A_19 = vector.shape_cast %mul3A_18 : vector<1x8192xf32> to vector<1x1x8192xf32>
      %reduce_sum3A_20 = arith.constant dense<0.000000e+00> : vector<1xf32>
      %reduce_sum3A_21 = vector.multi_reduction <add>, %reduce_sum3A_19, %reduce_sum3A_20 [1, 2] : vector<1x1x8192xf32> to vector<1xf32>
      %reduce_sum3A_22 = vector.shape_cast %reduce_sum3A_21 : vector<1xf32> to vector<1x1x1xf32>
      %reduce_sum3A_23 = vector.extract %reduce_sum3A_22[0, 0, 0] : f32 from vector<1x1x1xf32>
      %neg3A = arith.constant 0.000000e+00 : f32
      %neg3A_24 = arith.subf %neg3A, %reduce_sum3A_23 : f32
      %exp3A = math.exp %neg3A_24 : f32
      %swap3A_25 = arith.constant 0 : index
      %swap3A_26 = memref.load %arg5[%swap3A_25] : memref<1xf32, #tpu.memory_space<smem>>
      memref.store %exp3A, %arg5[%swap3A_25] : memref<1xf32, #tpu.memory_space<smem>>
    } else {
    }
    return
  }
  func.func @transform_0(%arg0: i32) -> (i32, i32) {
    %c0_i32 = arith.constant 0 : i32
    %c0_i32_0 = arith.constant 0 : i32
    return %arg0, %c0_i32 : i32, i32
  }
  func.func @transform_1(%arg0: i32) -> (i32, i32) {
    %c0_i32 = arith.constant 0 : i32
    %c0_i32_0 = arith.constant 0 : i32
    return %arg0, %c0_i32 : i32, i32
  }
  func.func @transform_2(%arg0: i32) -> (i32, i32) {
    %c0_i32 = arith.constant 0 : i32
    %c0_i32_0 = arith.constant 0 : i32
    %c0_i32_1 = arith.constant 0 : i32
    return %c0_i32, %c0_i32_0 : i32, i32
  }
  func.func @transform_3(%arg0: i32) -> (i32, i32) {
    %c0_i32 = arith.constant 0 : i32
    %c0_i32_0 = arith.constant 0 : i32
    return %arg0, %c0_i32 : i32, i32
  }
  func.func @transform_4(%arg0: i32) -> i32 {
    %c0_i32 = arith.constant 0 : i32
    %c0_i32_0 = arith.constant 0 : i32
    return %c0_i32 : i32
  }
}

</mosaic_0001>

<sc_bundles>
// kernel: kernel.5.cloned.1.call-start
scs
__scs_entry_jumppad:
0x0: {  	(pc) =	sbr.rel $0x88, $3  }
0x1: {  	(tag) =	ssettag $0x0;
	lr =	simm.s32 $0x1  }
0x2: {  	[smem:$0x3F9F] =	sst lr;
	_ =	strace $0xD0000000  }
0x3: {  	_ = 	snop  }
0x4: {  	_ = 	snop  }
0x5: {  	_ = 	snop  }
0x6: {  	_ = 	snop  }
0x7: {  	_ = 	snop  }
__scs_overlays_trampoline_lowered:
0x8: {  	[smem:$0x3FAE] =	sst s0  }
0x9: {  	[smem:$0x3FAF] =	sst s1  }
0xa: {  	[smem:$0x3FB0] =	sst s2  }
0xb: {  	[smem:$0x3FB1] =	sst s3  }
0xc: {  	[smem:$0x3FB2] =	sst s4  }
0xd: {  	[smem:$0x3FB3] =	sst s5  }
0xe: {  	[smem:$0x3FB4] =	sst s6  }
0xf: {  	[smem:$0x3FB5] =	sst s7  }
0x10: {  	[smem:$0x3FB6] =	sst s8  }
0x11: {  	[smem:$0x3FB7] =	sst s9;
	s0 =	simm.s32 @!p0 $0x0  }
0x12: {  	s1 =	sld [smem:$0x3F9D];
	s0 =	simm.s32 @p0 $0x1  }
0x13: {  	[smem:$0x3FB8] =	sst s0;
	s0 =	simm.s32 @!p1 $0x0  }
0x14: {  	s2 =	sld [smem:$0x3F9C];
	s0 =	simm.s32 @p1 $0x1  }
0x15: {  	[smem:$0x3FB9] =	sst s0;
	s0 =	simm.s32 @!p2 $0x0  }
0x16: {  	s3 =	sld [smem:$0x3FDB];
	s0 =	simm.s32 @p2 $0x1  }
0x17: {  	s4 =	simm.s32 $0x1BF5;
	[smem:$0x3FBB] =	sst s0  }
0x18: {  	s0 =	sld [smem:$0x3F9E];
	_ =	swait.ge [sflag:s4], $0x0  }
0x19: {  	s7 =	sld [smem:$0x3F9F]  }
0x1a: {  	s8 =	sadd.s32 $0xFFFFE003, lr  }
0x1b: {  	s9 =	sadd.s32 $0xFFFFFEF7, lr;
	s5 =	simm.s32 $0xFFFFFFFF;
	p2 =	slt.u32 s8, $0xFFFFF086  }
0x1c: {  	p1 =	slt.u32 s9, $0xF7A;
	s5 =	simm.s32 @!p2 $0x0  }
0x1d: {  	s5 =	simm.s32 @p1 $0x1;
	p0 =	seq.s32 s7, s2  }
0x1e: {  	s7 =	smul.u32 @!p0 $0xF7A, s2;
	p2 =	seq.s32 @!p0 s5, $0x0  }
0x1f: {  	s9 =	smul.u32 $0xF7A, s1;
	s8 =	simm.s32 @!p0 $0x1BF5;
	p2 =	por !p2, p0  }
0x20: {  	[sflag:s8] =	ssyncset.s32 @!p0 $0xFFFFF086;
	s6 =	sadd.s32 @!p0 s3, s7;
	s7 =	simm.s32 @!p0 $0x108  }
0x21: {  	s3 =	sadd.s32 s3, s9;
	s6 =	sadd.s32 @!p0 $0x88, s6;
	s7 =	simm.s32 @p2 $0x1082  }
0x22: {  	[simem:s7], [sflag:s8] =	dma.local @!p0 [hbm:s6], $0xF7A  }
0x23: {  	s9 =	sor.u32 $0xD0000000, s2;
	s6 =	simm.s32 $0x108;
	_ =	swait.ge @!p0 [sflag:s8], $0x0  }
0x24: {  	s3 =	sadd.s32 $0x88, s3;
	s6 =	simm.s32 @!p1 $0x1082;
	[sflag:s4] =	ssyncset.s32 $0xFFFFF086  }
0x25: {  	[simem:s6], [sflag:s4] =	dma.local [hbm:s3], $0xF7A  }
0x26: {  	[smem:$0x3F9F] =	sst s1;
	(tag) =	ssettag s2;
	_ =	strace s9  }
0x27: {  	s1 =	sld [smem:$0x3FAF]  }
0x28: {  	s2 =	sld [smem:$0x3FB0]  }
0x29: {  	s4 =	sld [smem:$0x3FB2]  }
0x2a: {  	p0 =	seq.s32 s5, $0x0;
	s5 =	sld [smem:$0x3FB3]  }
0x2b: {  	s6 =	sld [smem:$0x3FB4]  }
0x2c: {  	s7 =	sld [smem:$0x3FB5]  }
0x2d: {  	s3 =	simm.s32 $0x108;
	s8 =	sld [smem:$0x3FB6]  }
0x2e: {  	s3 =	simm.s32 @!p0 $0x1082;
	s9 =	sld [smem:$0x3FB7]  }
0x2f: {  	lr =	sadd.s32 s0, s3;
	s0 =	sld [smem:$0x3FAE]  }
0x30: {  	s3 =	sld [smem:$0x3FB1]  }
0x31: {  	[smem:$0x3FBA] =	sst s10  }
0x32: {  	s10 =	sld [smem:$0x3FB8];
	_ =	sdelay $0x3  }
0x33: {  	p0 =	seq.s32 s10, $0x1;
	s10 =	sld [smem:$0x3FBA];
	_ =	sdelay $0x3  }
0x34: {  	[smem:$0x3FBA] =	sst s10  }
0x35: {  	s10 =	sld [smem:$0x3FB9];
	_ =	sdelay $0x3  }
0x36: {  	p1 =	seq.s32 s10, $0x1;
	s10 =	sld [smem:$0x3FBA];
	_ =	sdelay $0x3  }
0x37: {  	[smem:$0x3FBA] =	sst s10  }
0x38: {  	s10 =	sld [smem:$0x3FBB]  }
0x39: {  	_ = 	snop;
	(pc) =	sbr.ind lr, $3  }
0x3a: {  	_ = 	snop  }
0x3b: {  	_ = 	snop  }
0x3c: {  	p2 =	seq.s32 s10, $0x1;
	s10 =	sld [smem:$0x3FBA]  }
0x3d: {  	_ =	shalt  }
0x3e: {  	_ =	shalt  }
0x3f: {  	_ =	shalt  }
0x40: {  	_ =	shalt  }
0x41: {  	_ =	shalt  }
0x42: {  	_ =	shalt  }
0x43: {  	_ =	shalt  }
0x44: {  	_ =	shalt  }
0x45: {  	_ =	shalt  }
0x46: {  	_ =	shalt  }
0x47: {  	_ =	shalt  }
0x48: {  	_ =	shalt  }
0x49: {  	_ =	shalt  }
0x4a: {  	_ =	shalt  }
0x4b: {  	_ =	shalt  }
0x4c: {  	_ =	shalt  }
0x4d: {  	_ =	shalt  }
0x4e: {  	_ =	shalt  }
0x4f: {  	_ =	shalt  }
0x50: {  	_ =	shalt  }
0x51: {  	_ =	shalt  }
0x52: {  	_ =	shalt  }
0x53: {  	_ =	shalt  }
0x54: {  	_ =	shalt  }
0x55: {  	_ =	shalt  }
0x56: {  	_ =	shalt  }
0x57: {  	_ =	shalt  }
0x58: {  	_ =	shalt  }
0x59: {  	_ =	shalt  }
0x5a: {  	_ =	shalt  }
0x5b: {  	_ =	shalt  }
0x5c: {  	_ =	shalt  }
0x5d: {  	_ =	shalt  }
0x5e: {  	_ =	shalt  }
0x5f: {  	_ =	shalt  }
0x60: {  	_ =	shalt  }
0x61: {  	_ =	shalt  }
0x62: {  	_ =	shalt  }
0x63: {  	_ =	shalt  }
0x64: {  	_ =	shalt  }
0x65: {  	_ =	shalt  }
0x66: {  	_ =	shalt  }
0x67: {  	_ =	shalt  }
0x68: {  	_ =	shalt  }
0x69: {  	_ =	shalt  }
0x6a: {  	_ =	shalt  }
0x6b: {  	_ =	shalt  }
0x6c: {  	_ =	shalt  }
0x6d: {  	_ =	shalt  }
0x6e: {  	_ =	shalt  }
0x6f: {  	_ =	shalt  }
0x70: {  	_ =	shalt  }
0x71: {  	_ =	shalt  }
0x72: {  	_ =	shalt  }
0x73: {  	_ =	shalt  }
0x74: {  	_ =	shalt  }
0x75: {  	_ =	shalt  }
0x76: {  	_ =	shalt  }
0x77: {  	_ =	shalt  }
0x78: {  	_ =	shalt  }
0x79: {  	_ =	shalt  }
0x7a: {  	_ =	shalt  }
0x7b: {  	_ =	shalt  }
0x7c: {  	_ =	shalt  }
0x7d: {  	_ =	shalt  }
0x7e: {  	_ =	shalt  }
0x7f: {  	_ =	shalt  }
0x80: {  	_ =	shalt  }
0x81: {  	_ =	shalt  }
0x82: {  	_ =	shalt  }
0x83: {  	_ =	shalt  }
0x84: {  	_ =	shalt  }
0x85: {  	_ =	shalt  }
0x86: {  	_ =	shalt  }
0x87: {  	_ =	shalt  }
.Lfunc_end0:
.L_simem_size_0:
called_computation_lowered:
.L_overlay_start_0:
0x88: {  	s2 =	sld [smem:$0x3FD9]  }
0x89: {  	s3 =	sld [smem:$0x3FFE];
	_ =	sdelay $0x1  }
0x8a: {  	s1 =	srdreg.scid  }
0x8b: {  	s0 =	sand.u32 $0x1, s1  }
0x8c: {  	s14 =	sshll.u32 s0, $0xA;
	s2 =	sadd.s32 s3, s2  }
0x8d: {  	s2 =	sadd.s32 s2, s14  }
0x8e: {  	[smem:$0x3FC6] =	sst s2  }
0x8f: {  	_ = 	snop  }
0x90: {  	s2 =	sld [smem:$0x3FD0];
	_ =	sdelay $0x2  }
0x91: {  	s15 =	simm.s32 $0xA;
	s4 =	simm.s32 $0x10  }
0x92: {  	[smem:s4], [sflag:s15] =	dma.local [hbm:s2], $0x1  }
0x93: {  	_ =	swait.eq [sflag:s15], $0x1  }
0x94: {  	[sflag:s15] =	ssyncset.done $0x0  }
0x95: {  	[sflag:s15] =	ssyncadd.s32 $0xFFFFFFFF  }
0x96: {  	s16 =	sld [smem:$0x11];
	(tm) =	ssettm $0x1  }
0x97: {  	s17 =	sld [smem:$0x3FFB];
	_ =	sdelay $0x3  }
0x98: {  	_ =	strace s17  }
0x99: {  	s3 =	sld [smem:$0x3FFC];
	_ =	sdelay $0x3  }
0x9a: {  	_ =	strace s3  }
0x9b: {  	s3 =	sld [smem:$0x3FFD];
	_ =	sdelay $0x3  }
0x9c: {  	_ =	strace s3  }
0x9d: {  	_ =	strace $0x8FFFFFFF  }
0x9e: {  	s18 =	sld [smem:$0x3FDB];
	_ =	sdelay $0x1  }
0x9f: {  	s19 =	simm.s32 $_scs_section_size  }
0xa0: {  	s5 =	simm.s32 $_size__tile_overlayer_lowered;
	s6 =	simm.s32 $_tile_overlayer_lowered  }
0xa1: {  	s22 =	simm.s32 $0x1BFF;
	s21 =	sshll.u32 s6, $0x1;
	s3 =	sadd.s32 s19, s18  }
0xa2: {  	s7 =	simm.s32 $0x0;
	s20 =	sshll.u32 s5, $0x1;
	s5 =	sadd.s32 s21, s3  }
0xa3: {  	[timem:s7], [sflag:s22] =	dma.local [hbm:s5], s20  }
0xa4: {  	_ =	swait.ge [sflag:s22], s20  }
0xa5: {  	s4 =	ssub.s32 $0x0, s20;
	[sflag:s22] =	ssyncset.done $0x0  }
0xa6: {  	[sflag:s22] =	ssyncadd.s32 s4;
	_ =	sdelay $0x1  }
0xa7: {  	s23 =	simm.s32 $0x1B8B  }
0xa8: {  	_ =	swait.ge [sflag:s23], $0x1  }
0xa9: {  	[sflag:s23] =	ssyncset.done $0x0  }
0xaa: {  	s25 =	simm.s32 $0x1B8E;
	s24 =	sld [smem:$0x3FFE];
	[sflag:s23] =	ssyncadd.s32 $0xFFFFFFFF  }
0xab: {  	s26 =	simm.s32 $execute0_lowered;
	[smem:$0x3FD2] =	sst s25  }
0xac: {  	s5 =	sshll.u32 s26, $0x1;
	_ =	strace $0x80000046;
	[dreg:$0x1] =	wrdreg $0xFFFFFFFF  }
0xad: {  	s28 =	simm.s32 $_size_execute0_lowered;
	s3 =	sadd.s32 s3, s5;
	[dreg:$0x0] =	wrdreg $0x0  }
0xae: {  	s5 =	sshll.u32 s28, $0x1;
	[dreg:$0x2] =	wrdreg s3  }
0xaf: {  	[dreg:$0x3] =	wrdreg s5  }
0xb0: {  	[dreg:$0x4] =	wrdreg $0xC0  }
0xb1: {  	_ =	task [dreg:s7], $0x5FFFF  }
0xb2: {  	[dreg:$0x1] =	wrdreg $0xFFFFFFFF  }
0xb3: {  	[dreg:$0x0] =	wrdreg $0x60  }
0xb4: {  	[dreg:$0x2] =	wrdreg s24  }
0xb5: {  	[dreg:$0x3] =	wrdreg s16  }
0xb6: {  	[dreg:$0x4] =	wrdreg $0x104000  }
0xb7: {  	[dreg:$0x5] =	wrdreg $0x9  }
0xb8: {  	_ =	task.clear_ibuf [dreg:s7], $0x6FFFF;
	_ =	strace $0x90000046  }
0xb9: {  	s29 =	simm.s32 $0x9;
	_ =	strace $0x80000048  }
0xba: {  	_ =	swait.ge [sflag:s29], $0x1  }
0xbb: {  	[sflag:s29] =	ssyncadd.s32 $0xFFFFFFFF  }
0xbc: {  	_ =	strace $0x90000048  }
0xbd: {  	_ =	sfence  }
0xbe: {  	s30 =	sld [smem:$0x0];
	_ =	sdelay $0x2  }
0xbf: {  	s31 =	sshll.u32 s1, $0xD;
	s1 =	sshrl.u32 s1, $0x2  }
0xc0: {  	s3 =	sand.u32 $0x4000, s31;
	s1 =	sadd.s32 s1, s30  }
0xc1: {  	s0 =	sor.u32 s3, s0;
	s1 =	sshll.u32 s1, $0x11  }
0xc2: {  	s0 =	sor.u32 s1, s0  }
0xc3: {  	s0 =	sadd.s32 $0x8F2B, s0  }
0xc4: {  	[sflag:s0] =	ssyncadd.remote.s32 $0x1  }
0xc5: {  	_ =	sfence.sel $0xFFFF  }
0xc6: {  	[dreg:$0x0] =	wrdreg $0xFFFFFFFF;
	(pc) =	sbr.abs _section_cstart, $3  }
0xc7: {  	[dreg:$0x1] =	wrdreg $0xFFFFFFFF  }
0xc8: {  	_ =	task.clear_ibuf [dreg:s7], $0x2FFFF;
	_ =	strace $0x9FFFFFFF  }
0xc9: {  	(tm) =	ssettm $0x7FFFFFFF  }
tec
execute0_lowered:
.L_overlay_start_1:
0x0: {  	(tag) =	ssettag $0x1  }
0x1: {  	s0 =	srdreg.scid  }
0x2: {  	s9 =	stileid.u32;
	s16 =	sand.u32 $0x1, s0  }
0x3: {  	s15 =	rddreg [dreg:$0x0];
	s30 =	sshll.u32 s9, $0xA;
	s2 =	sshll.u32 s16, $0x9  }
0x4: {  	s8 =	rddreg [dreg:$0x1];
	s10 =	sor.u32 s2, s30  }
0x5: {  	s1 =	rddreg [dreg:$0x2];
	s2 =	simm.s32 $0x0;
	s3 =	sshrl.u32 s10, $0x3  }
0x6: {  	s4 =	simm.s32 $0x2;
	[smem:$0x7FF] =	sst s2;
	s13 =	sadd.s32 s3, s15  }
0x7: {  	s0 =	rddreg [dreg:$0x3];
	_ =	strace $0x80000047;
	s3 =	sadd.s32 $0x20200, s13  }
0x8: {  	[tilespmem:s2], [sflag:$0x2] =	stream.linear.gather [hbm4b:s3+s2], $0x200, $0x38;
	[tilespmem:$0x10600] =	vst v63  }
0x9: {  	_ =	swait.ge [sflag:s4], $0x200  }
0xa: {  	s6 =	simm.s32 $0x200;
	[sflag:s4] =	ssyncset.done $0x0  }
0xb: {  	s7 =	simm.s32 $0x1;
	s5 =	sadd.s32 $0x200, s15;
	[sflag:s4] =	ssyncadd.s32 $0xFFFFFE00  }
0xc: {  	[tilespmem:s6], [sflag:$0x1] =	stream.indirect.gather [hbm4b:s5+s6], $0x80, s2, s6, $0xb8;
	[tilespmem:$0x10600] =	vst v63  }
0xd: {  	_ =	swait.ge [sflag:s7], $0x10000  }
0xe: {  	s10 =	sshll.u32 s10, $0x4;
	[sflag:s7] =	ssyncset.done $0x0  }
0xf: {  	s8 =	sadd.s32 s8, s10;
	[sflag:s7] =	ssyncadd.s32 $0xFFFF0000  }
0x10: {  	[hbm4b:s8+s2] =	stream.linear.scatter [tilespmem:s6], [sflag:$0x2], $0x10000, $0x38;
	[tilespmem:$0x10600] =	vst v63  }
0x11: {  	p0 =	sne.s32 s9, $0x0;
	_ =	swait.ge [sflag:s4], $0x10000  }
0x12: {  	s9 =	sadd.s32 $0x21200, s15;
	s11 =	sshrl.u32 @!p0 s1, $0x3;
	[sflag:s4] =	ssyncset.done $0x0  }
0x13: {  	s12 =	simm.s32 @!p0 $0x1C02;
	s10 =	simm.s32 @!p0 $0x2;
	[sflag:s4] =	ssyncadd.s32 $0xFFFF0000  }
0x14: {  	[spmem:s11], [sflag:s12] =	dma.local @!p0 [hbm:s9], $0x400  }
0x15: {  	_ =	swait.ge @!p0 [sflag:s10], $0x400  }
0x16: {  	[sflag:s10] =	ssyncset.done @!p0 $0x0  }
0x17: {  	s14 =	simm.s32 $0x10200;
	[sflag:s10] =	ssyncadd.s32 @!p0 $0xFFFFFC00  }
0x18: {  	s17 =	ssub.s32 $0x2, s16;
	s13 =	sadd.s32 $0x20A00, s13;
	[bflag:$0x0] =	sbarrier.arrive $0xFFFF  }
0x19: {  	[tilespmem:s14], [sflag:$0x2] =	stream.linear.gather [hbm4b:s13+s2], $0x200, $0x38;
	[tilespmem:$0x10600] =	vst v63  }
0x1a: {  	s18 =	sshrl.u32 s17, $0x1;
	_ =	swait.ge [sflag:s4], $0x200  }
0x1b: {  	s16 =	sshll.u32 s16, $0x4;
	s31 =	ssub.s32 s17, s18;
	[sflag:s4] =	ssyncset.done $0x0  }
0x1c: {  	s15 =	sadd.s32 s16, s15;
	s16 =	smax.u32 s31, $0x1;
	[sflag:s4] =	ssyncadd.s32 $0xFFFFFE00  }
0x1d: {  	[spmem:s1] =	stream.indirect.scatter.add.f32 [tilespmem:s14], [sflag:$0x2], $0x1, s2, s6, $0xb8;
	[tilespmem:$0x10600] =	vst v63  }
0x1e: {  	s16 =	sadd.s32 $0xFFFFFFFF, s16;
	_ =	swait.ge [sflag:s4], $0x200  }
0x1f: {  	s19 =	simm.s32 @!p0 $0x20;
	p1 =	sne.s32 s16, $0x0;
	[sflag:s4] =	ssyncset.done $0x0  }
.Ltmp0:
0x20: {  	s17 =	simm.s32 @!p0 $0x10;
	[sflag:s4] =	ssyncadd.s32 $0xFFFFFE00;
	(pc) =	sbr.rel @!p1 .LBB2_2-.Ltmp0, $4  }
0x21: {  	s18 =	simm.s32 @!p0 $0x1;
	s15 =	sadd.s32 $0x21600, s15;
	[bflag:$0x0] =	sbarrier.arrive $0xFFFF  }
0x22: {  	[hbm:s15@s19], [sflag:s12] =	dma.strided @!p0 [spmem:s11@s17], $0x400, s18, $0x10   }
0x23: {  	_ =	swait.ge @!p0 [sflag:s10], $0x400  }
0x24: {  	[sflag:s10] =	ssyncset.done @!p0 $0x0  }
.LBB2_1:
0x25: {  	s16 =	sadd.s32 $0xFFFFFFFF, s16;
	[sflag:s10] =	ssyncadd.s32 @!p0 $0xFFFFFC00  }
0x26: {  	[tilespmem:s2], [sflag:$0x2] =	stream.linear.gather [hbm4b:s3+s2], $0x200, $0x38;
	[tilespmem:$0x10600] =	vst v63  }
0x27: {  	p1 =	sne.s32 s16, $0x0;
	_ =	swait.ge [sflag:s4], $0x200  }
0x28: {  	[sflag:s4] =	ssyncset.done $0x0  }
0x29: {  	[sflag:s4] =	ssyncadd.s32 $0xFFFFFE00  }
0x2a: {  	[tilespmem:s6], [sflag:$0x1] =	stream.indirect.gather [hbm4b:s5+s6], $0x80, s2, s6, $0xb8;
	[tilespmem:$0x10600] =	vst v63  }
0x2b: {  	_ =	swait.ge [sflag:s7], $0x10000  }
0x2c: {  	[sflag:s7] =	ssyncset.done $0x0  }
0x2d: {  	[sflag:s7] =	ssyncadd.s32 $0xFFFF0000  }
0x2e: {  	[hbm4b:s8+s2] =	stream.linear.scatter [tilespmem:s6], [sflag:$0x2], $0x10000, $0x38;
	[tilespmem:$0x10600] =	vst v63  }
0x2f: {  	_ =	swait.ge [sflag:s4], $0x10000  }
0x30: {  	[sflag:s4] =	ssyncset.done $0x0  }
0x31: {  	[sflag:s4] =	ssyncadd.s32 $0xFFFF0000  }
0x32: {  	[spmem:s11], [sflag:s12] =	dma.local @!p0 [hbm:s9], $0x400  }
0x33: {  	_ =	swait.ge @!p0 [sflag:s10], $0x400  }
0x34: {  	[sflag:s10] =	ssyncset.done @!p0 $0x0  }
0x35: {  	[sflag:s10] =	ssyncadd.s32 @!p0 $0xFFFFFC00  }
0x36: {  	[bflag:$0x0] =	sbarrier.arrive $0xFFFF  }
0x37: {  	[tilespmem:s14], [sflag:$0x2] =	stream.linear.gather [hbm4b:s13+s2], $0x200, $0x38;
	[tilespmem:$0x10600] =	vst v63  }
0x38: {  	_ =	swait.ge [sflag:s4], $0x200  }
0x39: {  	[sflag:s4] =	ssyncset.done $0x0  }
0x3a: {  	[sflag:s4] =	ssyncadd.s32 $0xFFFFFE00  }
0x3b: {  	[spmem:s1] =	stream.indirect.scatter.add.f32 [tilespmem:s14], [sflag:$0x2], $0x1, s2, s6, $0xb8;
	[tilespmem:$0x10600] =	vst v63  }
0x3c: {  	_ =	swait.ge [sflag:s4], $0x200  }
0x3d: {  	[sflag:s4] =	ssyncset.done $0x0  }
.Ltmp1:
0x3e: {  	[sflag:s4] =	ssyncadd.s32 $0xFFFFFE00;
	(pc) =	sbr.rel @p1 .LBB2_1-.Ltmp1, $4  }
0x3f: {  	[bflag:$0x0] =	sbarrier.arrive $0xFFFF  }
0x40: {  	[hbm:s15@s19], [sflag:s12] =	dma.strided @!p0 [spmem:s11@s17], $0x400, s18, $0x10   }
0x41: {  	_ =	swait.ge @!p0 [sflag:s10], $0x400  }
0x42: {  	[sflag:s10] =	ssyncset.done @!p0 $0x0  }
.LBB2_2:
0x43: {  	[sflag:s10] =	ssyncadd.s32 @!p0 $0xFFFFFC00  }
0x44: {  	_ =	sfence.sel $0x180000  }
0x45: {  	[bflag:$0x0] =	sbarrier.arrive $0xFFFF  }
0x46: {  	_ =	strace $0x90000047  }
0x47: {  	s0 =	sadd.s32 @!p0 $0x100000, s0;
	[bflag:$0x2] =	sbarrier.arrive $0xFFFF  }
0x48: {  	[sflag:s0] =	ssyncadd.tile.s32 @!p0 $0x1;
	_ =	shalt  }
.Lfunc_end2:
_tile_overlayer_lowered:
.L_overlay_start_2:
0x49: {  	(tag) =	ssettag $0x2  }
0x4a: {  	s0 =	rddreg [dreg:$0x0];
	s2 =	stileid.u32  }
0x4b: {  	s1 =	rddreg [dreg:$0x1];
	p0 =	sne.s32 s2, $0x0  }
0x4c: {  	s3 =	rddreg [dreg:$0x2];
	[bflag:$0x3] =	sbarrier.arrive $0xFFFF;
	s2 =	simm.s32 @!p0 $0x1C02  }
0x4d: {  	[timem:s3], [sflag:s2] =	dma.local @!p0 [hbm:s0], s1  }
0x4e: {  	s0 =	simm.s32 @!p0 $0x2  }
0x4f: {  	_ =	swait.ge @!p0 [sflag:s0], s1  }
0x50: {  	s1 =	ssub.s32 @!p0 $0x0, s1;
	[sflag:s0] =	ssyncset.done @!p0 $0x0  }
0x51: {  	[sflag:s0] =	ssyncadd.s32 @!p0 s1  }
0x52: {  	[bflag:$0x3] =	sbarrier.arrive $0xFFFF  }
0x53: {  	_ =	shalt  }

</sc_bundles>
